<compile_context>
chip_gen: v7x
topology: tpu7x:2x2x1
jax: 0.10.2.dev20260603
libtpu: 0.0.44.dev20260713+nightly
codegen_flags: <defaults>
</compile_context>

<pallas_src>
import functools

import jax
import jax.numpy as jnp
from jax import lax
from jax.experimental import pallas as pl
from jax.experimental.pallas import tpu as pltpu
from jax.experimental.pallas import tpu_sc as plsc

BATCH = 4
SEQ = 2048
TOKENS = BATCH * SEQ
D = 1024
LN_EPS = 1e-3

NW = 32
TPW = TOKENS // NW
CHUNK = 32
N_CHUNKS = TPW // CHUNK

_sc_mesh = plsc.VectorSubcoreMesh(core_axis_name="c", subcore_axis_name="s")


@functools.partial(
    pl.kernel,
    mesh=_sc_mesh,
    out_type=jax.ShapeDtypeStruct((TOKENS, D), jnp.float32),
    scratch_types=[
        pltpu.VMEM((TPW,), jnp.int32),
        pltpu.VMEM((CHUNK, D), jnp.float32),
        pltpu.VMEM((CHUNK, D), jnp.float32),
        pltpu.SemaphoreType.DMA,
        pltpu.SemaphoreType.DMA,
    ],
)
def _sc_gather(idx_hbm, table_hbm, out_hbm, idx_v, rows_a, rows_b, sem_a, sem_b):
    wid = lax.axis_index("s") * 2 + lax.axis_index("c")
    base = wid * TPW
    pltpu.sync_copy(idx_hbm.at[pl.ds(base, TPW)], idx_v)

    pltpu.async_copy(table_hbm.at[idx_v.at[pl.ds(0, CHUNK)]], rows_a, sem_a)

    def body(i, _):
        buf = [rows_a, rows_b]
        sem = [sem_a, sem_b]
        for p in range(2):
            @pl.when(lax.rem(i, 2) == p)
            def _():
                cur, nxt = buf[p], buf[1 - p]
                csem, nsem = sem[p], sem[1 - p]
                @pl.when(i + 1 < N_CHUNKS)
                def _():
                    pltpu.async_copy(
                        table_hbm.at[idx_v.at[pl.ds((i + 1) * CHUNK, CHUNK)]],
                        nxt, nsem)
                pltpu.make_async_copy(
                    table_hbm.at[idx_v.at[pl.ds(i * CHUNK, CHUNK)]], cur, csem
                ).wait()
                pltpu.sync_copy(cur, out_hbm.at[pl.ds(base + i * CHUNK, CHUNK)])
        return 0

    lax.fori_loop(0, N_CHUNKS, body, 0)


TC_BLK = 512


def _tc_ln_body(gathered_ref, pos_ref, tsel_ref, type_emb_ref, gamma_ref,
                beta_ref, out_ref):
    x = gathered_ref[...]
    t0 = type_emb_ref[0:1, :]
    t1 = type_emb_ref[1:2, :]
    tsel = tsel_ref[...]
    x = x + pos_ref[...] + t0 + tsel * (t1 - t0)
    mean = jnp.mean(x, axis=-1, keepdims=True)
    xc = x - mean
    var = jnp.mean(xc * xc, axis=-1, keepdims=True)
    y = xc * lax.rsqrt(var + LN_EPS)
    out_ref[...] = y * gamma_ref[...] + beta_ref[...]


_BLOCKS_PER_BATCH = SEQ // TC_BLK


_tc_ln = pl.pallas_call(
    _tc_ln_body,
    grid=(_BLOCKS_PER_BATCH, BATCH),
    in_specs=[
        pl.BlockSpec((TC_BLK, D), lambda j, b: (b * _BLOCKS_PER_BATCH + j, 0)),
        pl.BlockSpec((TC_BLK, D), lambda j, b: (j, 0)),
        pl.BlockSpec((TC_BLK, 1), lambda j, b: (b * _BLOCKS_PER_BATCH + j, 0)),
        pl.BlockSpec((2, D), lambda j, b: (0, 0)),
        pl.BlockSpec((1, D), lambda j, b: (0, 0)),
        pl.BlockSpec((1, D), lambda j, b: (0, 0)),
    ],
    out_specs=pl.BlockSpec((TC_BLK, D), lambda j, b: (b * _BLOCKS_PER_BATCH + j, 0)),
    out_shape=jax.ShapeDtypeStruct((TOKENS, D), jnp.float32),
)


def kernel(input_word_ids, input_type_ids, word_emb, pos_emb, type_emb,
           ln_gamma, ln_beta):
    ids32 = input_word_ids.reshape(TOKENS).astype(jnp.int32)
    gathered = _sc_gather(ids32, word_emb)
    tsel = input_type_ids.reshape(TOKENS, 1).astype(jnp.float32)
    out = _tc_ln(gathered, pos_emb, tsel, type_emb,
                 ln_gamma.reshape(1, D), ln_beta.reshape(1, D))
    return out.reshape(BATCH, SEQ, D)

# --- scband reference (transcript-rebuilt; emitter-appended) ---
"""Pipeline reference for scband-bert-embedding-12240656793832 (READ-ONLY COPY).

The authoritative reference and input builder live on the scoring server;
editing this copy changes nothing except your own understanding.
"""

import jax, jax.numpy as jnp
import numpy as np

VOCAB_SIZE = 30522
HIDDEN_SIZE = 1024
MAX_POSITION_IDS = 2048
INPUT_TYPE_SIZE = 2
BATCH = 4
SEQ = 2048
LN_EPS = 1e-3  # Keras LayerNormalization default epsilon


def setup_inputs(seed: int = 0) -> dict:
    key = jax.random.key(seed)
    k1, k2, k3, k4, k5 = jax.random.split(key, 5)
    input_word_ids = jax.random.randint(k1, (BATCH, SEQ), 0, VOCAB_SIZE, dtype=jnp.int32).astype(jnp.int64)
    input_type_ids = jax.random.randint(k2, (BATCH, SEQ), 0, INPUT_TYPE_SIZE, dtype=jnp.int32).astype(jnp.int64)
    word_emb = jax.random.truncated_normal(k3, -2.0, 2.0, (VOCAB_SIZE, HIDDEN_SIZE), dtype=jnp.float32) * 0.02
    pos_emb = jax.random.truncated_normal(k4, -2.0, 2.0, (MAX_POSITION_IDS, HIDDEN_SIZE), dtype=jnp.float32) * 0.02
    type_emb = jax.random.truncated_normal(k5, -2.0, 2.0, (INPUT_TYPE_SIZE, HIDDEN_SIZE), dtype=jnp.float32) * 0.02
    ln_gamma = jnp.ones((HIDDEN_SIZE,), dtype=jnp.float32)
    ln_beta = jnp.zeros((HIDDEN_SIZE,), dtype=jnp.float32)
    return {
        'input_word_ids': input_word_ids,
        'input_type_ids': input_type_ids,
        'word_emb': word_emb,
        'pos_emb': pos_emb,
        'type_emb': type_emb,
        'ln_gamma': ln_gamma,
        'ln_beta': ln_beta,
    }


def reference(input_word_ids, input_type_ids, word_emb, pos_emb, type_emb, ln_gamma, ln_beta):
    seq_len = input_word_ids.shape[-1]
    position_ids = jnp.arange(seq_len)[None, :]
    input_word_embedding = jnp.take(word_emb, input_word_ids, axis=0)
    position_embedding = jnp.take(pos_emb, position_ids, axis=0)
    input_type_embedding = jnp.take(type_emb, input_type_ids, axis=0)
    embeddings = input_word_embedding + position_embedding + input_type_embedding
    mean = jnp.mean(embeddings, axis=-1, keepdims=True)
    var = jnp.mean(jnp.square(embeddings - mean), axis=-1, keepdims=True)
    normed = (embeddings - mean) * jax.lax.rsqrt(var + LN_EPS)
    out = normed * ln_gamma + ln_beta
    # dropout is identity at inference
    return out

if __name__ == "__main__":
    import jax
    _d = setup_inputs()
    print(jax.jit(kernel)(*tuple(_d.values())))

</pallas_src>

<mosaic_0001>
#map = affine_map<(d0, d1) -> (0)>
#map1 = affine_map<(d0, d1) -> (0, 0)>
module attributes {stable_mosaic.version = 14 : i64} {
  func.func @_sc_gather(%arg0: i32, %arg1: i32, %arg2: memref<8192xi32, #tpu.memory_space<hbm>>, %arg3: memref<30522x1024xf32, #tpu.memory_space<hbm>>, %arg4: memref<8192x1024xf32, #tpu.memory_space<hbm>>, %arg5: memref<256xi32, #tpu.memory_space<vmem>>, %arg6: memref<32x1024xf32, #tpu.memory_space<vmem>>, %arg7: memref<32x1024xf32, #tpu.memory_space<vmem>>, %arg8: memref<!tpu.dma_semaphore, #tpu.memory_space<semaphore_mem>>, %arg9: memref<!tpu.dma_semaphore, #tpu.memory_space<semaphore_mem>>) attributes {dimension_semantics = [#tpu.dimension_semantics<core_parallel>, #tpu.dimension_semantics<subcore_parallel>], iteration_bounds = array<i64: 2, 16>, scalar_prefetch = 0 : i64, scratch_operands = 5 : i64, tpu.core_type = #tpu.core_type<sc_vector_subcore>, window_params = [{transform_indices = #map}, {transform_indices = #map1}, {transform_indices = #map1}]} {
    %mul3A = arith.constant 2 : i32
    %mul3A_0 = arith.muli %arg1, %mul3A : i32
    %add3A = arith.addi %mul3A_0, %arg0 : i32
    %mul3A_1 = arith.constant 256 : i32
    %mul3A_2 = arith.muli %add3A, %mul3A_1 : i32
    "tpu.region"() ({
      %run_scoped3A = tpu.sem_alloc : memref<!tpu.dma_semaphore, #tpu.memory_space<semaphore_mem>>
      %dma_start3A_13 = tpu.memref_slice %arg2[%mul3A_2] : memref<8192xi32, #tpu.memory_space<hbm>> -> memref<256xi32, #tpu.memory_space<hbm>>
      %dma_start3A_14 = tpu.memref_slice %arg2[%mul3A_2] : memref<8192xi32, #tpu.memory_space<hbm>> -> memref<256xi32, #tpu.memory_space<hbm>>
      tpu.enqueue_dma source(%dma_start3A_14 : memref<256xi32, #tpu.memory_space<hbm>>) target(%arg5 : memref<256xi32, #tpu.memory_space<vmem>>) target_semaphore(%run_scoped3A : memref<!tpu.dma_semaphore, #tpu.memory_space<semaphore_mem>>)
      %dma_wait3A = tpu.memref_slice %arg2[%mul3A_2] : memref<8192xi32, #tpu.memory_space<hbm>> -> memref<256xi32, #tpu.memory_space<hbm>>
      %dma_wait3A_15 = tpu.memref_slice %arg2[%mul3A_2] : memref<8192xi32, #tpu.memory_space<hbm>> -> memref<256xi32, #tpu.memory_space<hbm>>
      tpu.wait_dma2 semaphore(%run_scoped3A : memref<!tpu.dma_semaphore, #tpu.memory_space<semaphore_mem>>) src(%dma_wait3A_15 : memref<256xi32, #tpu.memory_space<hbm>>) dst(%arg5 : memref<256xi32, #tpu.memory_space<vmem>>)
      tpu.yield
    }) : () -> ()
    %dma_start3A = arith.constant 0 : i32
    %dma_start3A_3 = tpu.memref_slice %arg5[%dma_start3A] : memref<256xi32, #tpu.memory_space<vmem>> -> memref<32xi32, #tpu.memory_space<vmem>>
    %dma_start3A_4 = arith.constant 0 : i32
    %dma_start3A_5 = arith.constant 0 : i32
    %dma_start3A_6 = tpu.memref_slice %arg3[%dma_start3A_4, %dma_start3A_5] : memref<30522x1024xf32, #tpu.memory_space<hbm>> -> memref<30522x1024xf32, #tpu.memory_space<hbm>>
    tpu.enqueue_indirect_dma source(%dma_start3A_6 : memref<30522x1024xf32, #tpu.memory_space<hbm>>) target(%arg6 : memref<32x1024xf32, #tpu.memory_space<vmem>>) offsets(%dma_start3A_3 : memref<32xi32, #tpu.memory_space<vmem>>) semaphore(%arg8 : memref<!tpu.dma_semaphore, #tpu.memory_space<semaphore_mem>>)
    %scan3A = arith.constant 0 : i32
    %scan3A_7 = arith.constant 0 : i32
    %scan3A_8 = arith.constant 8 : i32
    %scan3A_9 = arith.addi %scan3A_7, %scan3A_8 : i32
    %scan3A_10 = arith.constant 1 : i32
    %scan3A_11 = scf.for %scan3A_13 = %scan3A_7 to %scan3A_9 step %scan3A_10 iter_args(%scan3A_14 = %scan3A) -> (i32)  : i32 {
      %rem3A = arith.constant 2 : i32
      %rem3A_15 = arith.remsi %scan3A_13, %rem3A : i32
      %eq3A = arith.constant 0 : i32
      %eq3A_16 = arith.cmpi eq, %rem3A_15, %eq3A : i32
      %convert_element_type3A = arith.extui %eq3A_16 : i1 to i32
      %cond3A = arith.constant 0 : i32
      %cond3A_17 = arith.cmpi ne, %convert_element_type3A, %cond3A : i32
      scf.if %cond3A_17 {
        %add3A_26 = arith.constant 1 : i32
        %add3A_27 = arith.addi %scan3A_13, %add3A_26 : i32
        %lt3A = arith.constant 8 : i32
        %lt3A_28 = arith.cmpi slt, %add3A_27, %lt3A : i32
        %convert_element_type3A_29 = arith.extui %lt3A_28 : i1 to i32
        %cond3A_30 = arith.constant 0 : i32
        %cond3A_31 = arith.cmpi ne, %convert_element_type3A_29, %cond3A_30 : i32
        scf.if %cond3A_31 {
          %add3A_40 = arith.constant 1 : i32
          %add3A_41 = arith.addi %scan3A_13, %add3A_40 : i32
          %mul3A_42 = arith.constant 32 : i32
          %mul3A_43 = arith.muli %add3A_41, %mul3A_42 : i32
          %dma_start3A_44 = tpu.memref_slice %arg5[%mul3A_43] : memref<256xi32, #tpu.memory_space<vmem>> -> memref<32xi32, #tpu.memory_space<vmem>>
          %dma_start3A_45 = arith.constant 0 : i32
          %dma_start3A_46 = arith.constant 0 : i32
          %dma_start3A_47 = tpu.memref_slice %arg3[%dma_start3A_45, %dma_start3A_46] : memref<30522x1024xf32, #tpu.memory_space<hbm>> -> memref<30522x1024xf32, #tpu.memory_space<hbm>>
          tpu.enqueue_indirect_dma source(%dma_start3A_47 : memref<30522x1024xf32, #tpu.memory_space<hbm>>) target(%arg7 : memref<32x1024xf32, #tpu.memory_space<vmem>>) offsets(%dma_start3A_44 : memref<32xi32, #tpu.memory_space<vmem>>) semaphore(%arg9 : memref<!tpu.dma_semaphore, #tpu.memory_space<semaphore_mem>>)
        } else {
        }
        %mul3A_32 = arith.constant 32 : i32
        %mul3A_33 = arith.muli %scan3A_13, %mul3A_32 : i32
        %dma_wait3A = tpu.memref_slice %arg5[%mul3A_33] : memref<256xi32, #tpu.memory_space<vmem>> -> memref<32xi32, #tpu.memory_space<vmem>>
        %dma_wait3A_34 = arith.constant 0 : i32
        %dma_wait3A_35 = arith.constant 0 : i32
        %dma_wait3A_36 = tpu.memref_slice %arg3[%dma_wait3A_34, %dma_wait3A_35] : memref<30522x1024xf32, #tpu.memory_space<hbm>> -> memref<30522x1024xf32, #tpu.memory_space<hbm>>
        tpu.wait_indirect_dma semaphore(%arg8 : memref<!tpu.dma_semaphore, #tpu.memory_space<semaphore_mem>>) src(%dma_wait3A_36 : memref<30522x1024xf32, #tpu.memory_space<hbm>>) dst(%arg6 : memref<32x1024xf32, #tpu.memory_space<vmem>>)
        %mul3A_37 = arith.constant 32 : i32
        %mul3A_38 = arith.muli %scan3A_13, %mul3A_37 : i32
        %add3A_39 = arith.addi %mul3A_2, %mul3A_38 : i32
        "tpu.region"() ({
          %run_scoped3A = tpu.sem_alloc : memref<!tpu.dma_semaphore, #tpu.memory_space<semaphore_mem>>
          %dma_start3A_40 = arith.constant 0 : i32
          %dma_start3A_41 = tpu.memref_slice %arg4[%add3A_39, %dma_start3A_40] : memref<8192x1024xf32, #tpu.memory_space<hbm>> -> memref<32x1024xf32, #tpu.memory_space<hbm>>
          %dma_start3A_42 = arith.constant 0 : i32
          %dma_start3A_43 = tpu.memref_slice %arg4[%add3A_39, %dma_start3A_42] : memref<8192x1024xf32, #tpu.memory_space<hbm>> -> memref<32x1024xf32, #tpu.memory_space<hbm>>
          tpu.enqueue_dma source(%arg6 : memref<32x1024xf32, #tpu.memory_space<vmem>>) target(%dma_start3A_43 : memref<32x1024xf32, #tpu.memory_space<hbm>>) target_semaphore(%run_scoped3A : memref<!tpu.dma_semaphore, #tpu.memory_space<semaphore_mem>>)
          %dma_wait3A_44 = arith.constant 0 : i32
          %dma_wait3A_45 = tpu.memref_slice %arg4[%add3A_39, %dma_wait3A_44] : memref<8192x1024xf32, #tpu.memory_space<hbm>> -> memref<32x1024xf32, #tpu.memory_space<hbm>>
          %dma_wait3A_46 = arith.constant 0 : i32
          %dma_wait3A_47 = tpu.memref_slice %arg4[%add3A_39, %dma_wait3A_46] : memref<8192x1024xf32, #tpu.memory_space<hbm>> -> memref<32x1024xf32, #tpu.memory_space<hbm>>
          tpu.wait_dma2 semaphore(%run_scoped3A : memref<!tpu.dma_semaphore, #tpu.memory_space<semaphore_mem>>) src(%arg6 : memref<32x1024xf32, #tpu.memory_space<vmem>>) dst(%dma_wait3A_47 : memref<32x1024xf32, #tpu.memory_space<hbm>>)
          tpu.yield
        }) : () -> ()
      } else {
      }
      %rem3A_18 = arith.constant 2 : i32
      %rem3A_19 = arith.remsi %scan3A_13, %rem3A_18 : i32
      %eq3A_20 = arith.constant 1 : i32
      %eq3A_21 = arith.cmpi eq, %rem3A_19, %eq3A_20 : i32
      %convert_element_type3A_22 = arith.extui %eq3A_21 : i1 to i32
      %cond3A_23 = arith.constant 0 : i32
      %cond3A_24 = arith.cmpi ne, %convert_element_type3A_22, %cond3A_23 : i32
      scf.if %cond3A_24 {
        %add3A_26 = arith.constant 1 : i32
        %add3A_27 = arith.addi %scan3A_13, %add3A_26 : i32
        %lt3A = arith.constant 8 : i32
        %lt3A_28 = arith.cmpi slt, %add3A_27, %lt3A : i32
        %convert_element_type3A_29 = arith.extui %lt3A_28 : i1 to i32
        %cond3A_30 = arith.constant 0 : i32
        %cond3A_31 = arith.cmpi ne, %convert_element_type3A_29, %cond3A_30 : i32
        scf.if %cond3A_31 {
          %add3A_40 = arith.constant 1 : i32
          %add3A_41 = arith.addi %scan3A_13, %add3A_40 : i32
          %mul3A_42 = arith.constant 32 : i32
          %mul3A_43 = arith.muli %add3A_41, %mul3A_42 : i32
          %dma_start3A_44 = tpu.memref_slice %arg5[%mul3A_43] : memref<256xi32, #tpu.memory_space<vmem>> -> memref<32xi32, #tpu.memory_space<vmem>>
          %dma_start3A_45 = arith.constant 0 : i32
          %dma_start3A_46 = arith.constant 0 : i32
          %dma_start3A_47 = tpu.memref_slice %arg3[%dma_start3A_45, %dma_start3A_46] : memref<30522x1024xf32, #tpu.memory_space<hbm>> -> memref<30522x1024xf32, #tpu.memory_space<hbm>>
          tpu.enqueue_indirect_dma source(%dma_start3A_47 : memref<30522x1024xf32, #tpu.memory_space<hbm>>) target(%arg6 : memref<32x1024xf32, #tpu.memory_space<vmem>>) offsets(%dma_start3A_44 : memref<32xi32, #tpu.memory_space<vmem>>) semaphore(%arg8 : memref<!tpu.dma_semaphore, #tpu.memory_space<semaphore_mem>>)
        } else {
        }
        %mul3A_32 = arith.constant 32 : i32
        %mul3A_33 = arith.muli %scan3A_13, %mul3A_32 : i32
        %dma_wait3A = tpu.memref_slice %arg5[%mul3A_33] : memref<256xi32, #tpu.memory_space<vmem>> -> memref<32xi32, #tpu.memory_space<vmem>>
        %dma_wait3A_34 = arith.constant 0 : i32
        %dma_wait3A_35 = arith.constant 0 : i32
        %dma_wait3A_36 = tpu.memref_slice %arg3[%dma_wait3A_34, %dma_wait3A_35] : memref<30522x1024xf32, #tpu.memory_space<hbm>> -> memref<30522x1024xf32, #tpu.memory_space<hbm>>
        tpu.wait_indirect_dma semaphore(%arg9 : memref<!tpu.dma_semaphore, #tpu.memory_space<semaphore_mem>>) src(%dma_wait3A_36 : memref<30522x1024xf32, #tpu.memory_space<hbm>>) dst(%arg7 : memref<32x1024xf32, #tpu.memory_space<vmem>>)
        %mul3A_37 = arith.constant 32 : i32
        %mul3A_38 = arith.muli %scan3A_13, %mul3A_37 : i32
        %add3A_39 = arith.addi %mul3A_2, %mul3A_38 : i32
        "tpu.region"() ({
          %run_scoped3A = tpu.sem_alloc : memref<!tpu.dma_semaphore, #tpu.memory_space<semaphore_mem>>
          %dma_start3A_40 = arith.constant 0 : i32
          %dma_start3A_41 = tpu.memref_slice %arg4[%add3A_39, %dma_start3A_40] : memref<8192x1024xf32, #tpu.memory_space<hbm>> -> memref<32x1024xf32, #tpu.memory_space<hbm>>
          %dma_start3A_42 = arith.constant 0 : i32
          %dma_start3A_43 = tpu.memref_slice %arg4[%add3A_39, %dma_start3A_42] : memref<8192x1024xf32, #tpu.memory_space<hbm>> -> memref<32x1024xf32, #tpu.memory_space<hbm>>
          tpu.enqueue_dma source(%arg7 : memref<32x1024xf32, #tpu.memory_space<vmem>>) target(%dma_start3A_43 : memref<32x1024xf32, #tpu.memory_space<hbm>>) target_semaphore(%run_scoped3A : memref<!tpu.dma_semaphore, #tpu.memory_space<semaphore_mem>>)
          %dma_wait3A_44 = arith.constant 0 : i32
          %dma_wait3A_45 = tpu.memref_slice %arg4[%add3A_39, %dma_wait3A_44] : memref<8192x1024xf32, #tpu.memory_space<hbm>> -> memref<32x1024xf32, #tpu.memory_space<hbm>>
          %dma_wait3A_46 = arith.constant 0 : i32
          %dma_wait3A_47 = tpu.memref_slice %arg4[%add3A_39, %dma_wait3A_46] : memref<8192x1024xf32, #tpu.memory_space<hbm>> -> memref<32x1024xf32, #tpu.memory_space<hbm>>
          tpu.wait_dma2 semaphore(%run_scoped3A : memref<!tpu.dma_semaphore, #tpu.memory_space<semaphore_mem>>) src(%arg7 : memref<32x1024xf32, #tpu.memory_space<vmem>>) dst(%dma_wait3A_47 : memref<32x1024xf32, #tpu.memory_space<hbm>>)
          tpu.yield
        }) : () -> ()
      } else {
      }
      %scan3A_25 = arith.constant 0 : i32
      scf.yield %scan3A_25 : i32
    }
    %scan3A_12 = arith.constant 8 : i32
    return
  }
}

module attributes {stable_mosaic.version = 14 : i64} {
  func.func @_tc_ln_body(%arg0: i32, %arg1: i32, %arg2: memref<512x1024xf32, #tpu.memory_space<vmem>>, %arg3: memref<512x1024xf32, #tpu.memory_space<vmem>>, %arg4: memref<512x1xf32, #tpu.memory_space<vmem>>, %arg5: memref<2x1024xf32, #tpu.memory_space<vmem>>, %arg6: memref<1x1024xf32, #tpu.memory_space<vmem>>, %arg7: memref<1x1024xf32, #tpu.memory_space<vmem>>, %arg8: memref<512x1024xf32, #tpu.memory_space<vmem>>) attributes {dimension_semantics = [#tpu.dimension_semantics<arbitrary>, #tpu.dimension_semantics<arbitrary>], iteration_bounds = array<i64: 4, 4>, scalar_prefetch = 0 : i64, scratch_operands = 0 : i64, tpu.core_type = #tpu.core_type<tc>, window_params = [{transform_indices = @transform_0, window_bounds = array<i64: 512, 1024>}, {transform_indices = @transform_1, window_bounds = array<i64: 512, 1024>}, {transform_indices = @transform_2, window_bounds = array<i64: 512, 1>}, {pipeline_mode = #tpu.pipeline_mode<synchronous>, transform_indices = @transform_3, window_bounds = array<i64: 2, 1024>}, {pipeline_mode = #tpu.pipeline_mode<synchronous>, transform_indices = @transform_4, window_bounds = array<i64: 1, 1024>}, {pipeline_mode = #tpu.pipeline_mode<synchronous>, transform_indices = @transform_5, window_bounds = array<i64: 1, 1024>}, {transform_indices = @transform_6, window_bounds = array<i64: 512, 1024>}]} {
    %get3A = arith.constant 0 : index
    %get3A_0 = arith.constant 0 : index
    %get3A_1 = vector.load %arg2[%get3A, %get3A_0] : memref<512x1024xf32, #tpu.memory_space<vmem>>, vector<512x1024xf32>
    %get3A_2 = arith.constant 0 : index
    %get3A_3 = arith.constant 0 : index
    %get3A_4 = vector.load %arg5[%get3A_2, %get3A_3] : memref<2x1024xf32, #tpu.memory_space<vmem>>, vector<1x1024xf32>
    %get3A_5 = arith.constant 1 : index
    %get3A_6 = arith.constant 0 : index
    %get3A_7 = vector.load %arg5[%get3A_5, %get3A_6] : memref<2x1024xf32, #tpu.memory_space<vmem>>, vector<1x1024xf32>
    %get3A_8 = arith.constant 0 : index
    %get3A_9 = arith.constant 0 : index
    %get3A_10 = vector.load %arg4[%get3A_8, %get3A_9] : memref<512x1xf32, #tpu.memory_space<vmem>>, vector<512x1xf32>
    %get3A_11 = arith.constant 0 : index
    %get3A_12 = arith.constant 0 : index
    %get3A_13 = vector.load %arg3[%get3A_11, %get3A_12] : memref<512x1024xf32, #tpu.memory_space<vmem>>, vector<512x1024xf32>
    %add3A = arith.addf %get3A_1, %get3A_13 : vector<512x1024xf32>
    %add3A_14 = vector.broadcast %get3A_4 : vector<1x1024xf32> to vector<512x1024xf32>
    %add3A_15 = arith.addf %add3A, %add3A_14 : vector<512x1024xf32>
    %sub3A = arith.subf %get3A_7, %get3A_4 : vector<1x1024xf32>
    %mul3A = vector.broadcast %get3A_10 : vector<512x1xf32> to vector<512x1024xf32>
    %mul3A_16 = vector.broadcast %sub3A : vector<1x1024xf32> to vector<512x1024xf32>
    %mul3A_17 = arith.mulf %mul3A, %mul3A_16 : vector<512x1024xf32>
    %add3A_18 = arith.addf %add3A_15, %mul3A_17 : vector<512x1024xf32>
    %reduce_sum3A = arith.constant dense<0.000000e+00> : vector<512xf32>
    %reduce_sum3A_19 = vector.multi_reduction <add>, %add3A_18, %reduce_sum3A [1] : vector<512x1024xf32> to vector<512xf32>
    %broadcast_in_dim3A = vector.shape_cast %reduce_sum3A_19 : vector<512xf32> to vector<512x1xf32>
    %div3A = arith.constant 1.024000e+03 : f32
    %div3A_20 = vector.broadcast %div3A : f32 to vector<512x1xf32>
    %div3A_21 = arith.divf %broadcast_in_dim3A, %div3A_20 : vector<512x1xf32>
    %sub3A_22 = vector.broadcast %div3A_21 : vector<512x1xf32> to vector<512x1024xf32>
    %sub3A_23 = arith.subf %add3A_18, %sub3A_22 : vector<512x1024xf32>
    %mul3A_24 = arith.mulf %sub3A_23, %sub3A_23 : vector<512x1024xf32>
    %reduce_sum3A_25 = arith.constant dense<0.000000e+00> : vector<512xf32>
    %reduce_sum3A_26 = vector.multi_reduction <add>, %mul3A_24, %reduce_sum3A_25 [1] : vector<512x1024xf32> to vector<512xf32>
    %broadcast_in_dim3A_27 = vector.shape_cast %reduce_sum3A_26 : vector<512xf32> to vector<512x1xf32>
    %div3A_28 = arith.constant 1.024000e+03 : f32
    %div3A_29 = vector.broadcast %div3A_28 : f32 to vector<512x1xf32>
    %div3A_30 = arith.divf %broadcast_in_dim3A_27, %div3A_29 : vector<512x1xf32>
    %add3A_31 = arith.constant 1.000000e-03 : f32
    %add3A_32 = vector.broadcast %add3A_31 : f32 to vector<512x1xf32>
    %add3A_33 = arith.addf %div3A_30, %add3A_32 : vector<512x1xf32>
    %rsqrt3A = math.rsqrt %add3A_33 : vector<512x1xf32>
    %mul3A_34 = vector.broadcast %rsqrt3A : vector<512x1xf32> to vector<512x1024xf32>
    %mul3A_35 = arith.mulf %sub3A_23, %mul3A_34 : vector<512x1024xf32>
    %get3A_36 = arith.constant 0 : index
    %get3A_37 = arith.constant 0 : index
    %get3A_38 = vector.load %arg6[%get3A_36, %get3A_37] : memref<1x1024xf32, #tpu.memory_space<vmem>>, vector<1x1024xf32>
    %mul3A_39 = vector.broadcast %get3A_38 : vector<1x1024xf32> to vector<512x1024xf32>
    %mul3A_40 = arith.mulf %mul3A_35, %mul3A_39 : vector<512x1024xf32>
    %get3A_41 = arith.constant 0 : index
    %get3A_42 = arith.constant 0 : index
    %get3A_43 = vector.load %arg7[%get3A_41, %get3A_42] : memref<1x1024xf32, #tpu.memory_space<vmem>>, vector<1x1024xf32>
    %add3A_44 = vector.broadcast %get3A_43 : vector<1x1024xf32> to vector<512x1024xf32>
    %add3A_45 = arith.addf %mul3A_40, %add3A_44 : vector<512x1024xf32>
    %swap3A = arith.constant 0 : index
    %swap3A_46 = arith.constant 0 : index
    %swap3A_47 = vector.load %arg8[%swap3A, %swap3A_46] : memref<512x1024xf32, #tpu.memory_space<vmem>>, vector<512x1024xf32>
    tpu.vector_store %arg8[%swap3A, %swap3A_46], %add3A_45 {strides = array<i32>} : memref<512x1024xf32, #tpu.memory_space<vmem>>, vector<512x1024xf32>,
    return
  }
  func.func @transform_0(%arg0: i32, %arg1: i32) -> (i32, i32) {
    %mul3A = arith.constant 4 : i32
    %mul3A_0 = arith.muli %arg1, %mul3A : i32
    %add3A = arith.addi %mul3A_0, %arg0 : i32
    %c0_i32 = arith.constant 0 : i32
    %c0_i32_1 = arith.constant 0 : i32
    return %add3A, %c0_i32 : i32, i32
  }
  func.func @transform_1(%arg0: i32, %arg1: i32) -> (i32, i32) {
    %c0_i32 = arith.constant 0 : i32
    %c0_i32_0 = arith.constant 0 : i32
    return %arg0, %c0_i32 : i32, i32
  }
  func.func @transform_2(%arg0: i32, %arg1: i32) -> (i32, i32) {
    %mul3A = arith.constant 4 : i32
    %mul3A_0 = arith.muli %arg1, %mul3A : i32
    %add3A = arith.addi %mul3A_0, %arg0 : i32
    %c0_i32 = arith.constant 0 : i32
    %c0_i32_1 = arith.constant 0 : i32
    return %add3A, %c0_i32 : i32, i32
  }
  func.func @transform_3(%arg0: i32, %arg1: i32) -> (i32, i32) {
    %c0_i32 = arith.constant 0 : i32
    %c0_i32_0 = arith.constant 0 : i32
    %c0_i32_1 = arith.constant 0 : i32
    return %c0_i32, %c0_i32_0 : i32, i32
  }
  func.func @transform_4(%arg0: i32, %arg1: i32) -> (i32, i32) {
    %c0_i32 = arith.constant 0 : i32
    %c0_i32_0 = arith.constant 0 : i32
    %c0_i32_1 = arith.constant 0 : i32
    return %c0_i32, %c0_i32_0 : i32, i32
  }
  func.func @transform_5(%arg0: i32, %arg1: i32) -> (i32, i32) {
    %c0_i32 = arith.constant 0 : i32
    %c0_i32_0 = arith.constant 0 : i32
    %c0_i32_1 = arith.constant 0 : i32
    return %c0_i32, %c0_i32_0 : i32, i32
  }
  func.func @transform_6(%arg0: i32, %arg1: i32) -> (i32, i32) {
    %mul3A = arith.constant 4 : i32
    %mul3A_0 = arith.muli %arg1, %mul3A : i32
    %add3A = arith.addi %mul3A_0, %arg0 : i32
    %c0_i32 = arith.constant 0 : i32
    %c0_i32_1 = arith.constant 0 : i32
    return %add3A, %c0_i32 : i32, i32
  }
}

</mosaic_0001>

<sc_bundles>
// kernel: kernel.4.cloned.1.call-start
scs
__scs_entry_jumppad:
0x0: {  	(pc) =	sbr.rel $0x88, $3  }
0x1: {  	(tag) =	ssettag $0x0;
	lr =	simm.s32 $0x1  }
0x2: {  	[smem:$0x3F9A] =	sst lr;
	_ =	strace $0xD0000000  }
0x3: {  	_ = 	snop  }
0x4: {  	_ = 	snop  }
0x5: {  	_ = 	snop  }
0x6: {  	_ = 	snop  }
0x7: {  	_ = 	snop  }
__scs_overlays_trampoline_lowered:
0x8: {  	[smem:$0x3FA9] =	sst s0  }
0x9: {  	[smem:$0x3FAA] =	sst s1  }
0xa: {  	[smem:$0x3FAB] =	sst s2  }
0xb: {  	[smem:$0x3FAC] =	sst s3  }
0xc: {  	[smem:$0x3FAD] =	sst s4  }
0xd: {  	[smem:$0x3FAE] =	sst s5  }
0xe: {  	[smem:$0x3FAF] =	sst s6  }
0xf: {  	[smem:$0x3FB0] =	sst s7  }
0x10: {  	[smem:$0x3FB1] =	sst s8  }
0x11: {  	[smem:$0x3FB2] =	sst s9;
	s0 =	simm.s32 @!p0 $0x0  }
0x12: {  	s1 =	sld [smem:$0x3F98];
	s0 =	simm.s32 @p0 $0x1  }
0x13: {  	[smem:$0x3FB3] =	sst s0;
	s0 =	simm.s32 @!p1 $0x0  }
0x14: {  	s2 =	sld [smem:$0x3F97];
	s0 =	simm.s32 @p1 $0x1  }
0x15: {  	[smem:$0x3FB4] =	sst s0;
	s0 =	simm.s32 @!p2 $0x0  }
0x16: {  	s3 =	sld [smem:$0x3FDB];
	s0 =	simm.s32 @p2 $0x1  }
0x17: {  	s4 =	simm.s32 $0x1BF5;
	[smem:$0x3FB6] =	sst s0  }
0x18: {  	s0 =	sld [smem:$0x3F99];
	_ =	swait.ge [sflag:s4], $0x0  }
0x19: {  	s7 =	sld [smem:$0x3F9A]  }
0x1a: {  	s8 =	sadd.s32 $0xFFFFE003, lr  }
0x1b: {  	s9 =	sadd.s32 $0xFFFFFEF7, lr;
	s5 =	simm.s32 $0xFFFFFFFF;
	p2 =	slt.u32 s8, $0xFFFFF086  }
0x1c: {  	p1 =	slt.u32 s9, $0xF7A;
	s5 =	simm.s32 @!p2 $0x0  }
0x1d: {  	s5 =	simm.s32 @p1 $0x1;
	p0 =	seq.s32 s7, s2  }
0x1e: {  	s7 =	smul.u32 @!p0 $0xF7A, s2;
	p2 =	seq.s32 @!p0 s5, $0x0  }
0x1f: {  	s9 =	smul.u32 $0xF7A, s1;
	s8 =	simm.s32 @!p0 $0x1BF5;
	p2 =	por !p2, p0  }
0x20: {  	[sflag:s8] =	ssyncset.s32 @!p0 $0xFFFFF086;
	s6 =	sadd.s32 @!p0 s3, s7;
	s7 =	simm.s32 @!p0 $0x108  }
0x21: {  	s3 =	sadd.s32 s3, s9;
	s6 =	sadd.s32 @!p0 $0x88, s6;
	s7 =	simm.s32 @p2 $0x1082  }
0x22: {  	[simem:s7], [sflag:s8] =	dma.local @!p0 [hbm:s6], $0xF7A  }
0x23: {  	s9 =	sor.u32 $0xD0000000, s2;
	s6 =	simm.s32 $0x108;
	_ =	swait.ge @!p0 [sflag:s8], $0x0  }
0x24: {  	s3 =	sadd.s32 $0x88, s3;
	s6 =	simm.s32 @!p1 $0x1082;
	[sflag:s4] =	ssyncset.s32 $0xFFFFF086  }
0x25: {  	[simem:s6], [sflag:s4] =	dma.local [hbm:s3], $0xF7A  }
0x26: {  	[smem:$0x3F9A] =	sst s1;
	(tag) =	ssettag s2;
	_ =	strace s9  }
0x27: {  	s1 =	sld [smem:$0x3FAA]  }
0x28: {  	s2 =	sld [smem:$0x3FAB]  }
0x29: {  	s4 =	sld [smem:$0x3FAD]  }
0x2a: {  	p0 =	seq.s32 s5, $0x0;
	s5 =	sld [smem:$0x3FAE]  }
0x2b: {  	s6 =	sld [smem:$0x3FAF]  }
0x2c: {  	s7 =	sld [smem:$0x3FB0]  }
0x2d: {  	s3 =	simm.s32 $0x108;
	s8 =	sld [smem:$0x3FB1]  }
0x2e: {  	s3 =	simm.s32 @!p0 $0x1082;
	s9 =	sld [smem:$0x3FB2]  }
0x2f: {  	lr =	sadd.s32 s0, s3;
	s0 =	sld [smem:$0x3FA9]  }
0x30: {  	s3 =	sld [smem:$0x3FAC]  }
0x31: {  	[smem:$0x3FB5] =	sst s10  }
0x32: {  	s10 =	sld [smem:$0x3FB3];
	_ =	sdelay $0x3  }
0x33: {  	p0 =	seq.s32 s10, $0x1;
	s10 =	sld [smem:$0x3FB5];
	_ =	sdelay $0x3  }
0x34: {  	[smem:$0x3FB5] =	sst s10  }
0x35: {  	s10 =	sld [smem:$0x3FB4];
	_ =	sdelay $0x3  }
0x36: {  	p1 =	seq.s32 s10, $0x1;
	s10 =	sld [smem:$0x3FB5];
	_ =	sdelay $0x3  }
0x37: {  	[smem:$0x3FB5] =	sst s10  }
0x38: {  	s10 =	sld [smem:$0x3FB6]  }
0x39: {  	_ = 	snop;
	(pc) =	sbr.ind lr, $3  }
0x3a: {  	_ = 	snop  }
0x3b: {  	_ = 	snop  }
0x3c: {  	p2 =	seq.s32 s10, $0x1;
	s10 =	sld [smem:$0x3FB5]  }
0x3d: {  	_ =	shalt  }
0x3e: {  	_ =	shalt  }
0x3f: {  	_ =	shalt  }
0x40: {  	_ =	shalt  }
0x41: {  	_ =	shalt  }
0x42: {  	_ =	shalt  }
0x43: {  	_ =	shalt  }
0x44: {  	_ =	shalt  }
0x45: {  	_ =	shalt  }
0x46: {  	_ =	shalt  }
0x47: {  	_ =	shalt  }
0x48: {  	_ =	shalt  }
0x49: {  	_ =	shalt  }
0x4a: {  	_ =	shalt  }
0x4b: {  	_ =	shalt  }
0x4c: {  	_ =	shalt  }
0x4d: {  	_ =	shalt  }
0x4e: {  	_ =	shalt  }
0x4f: {  	_ =	shalt  }
0x50: {  	_ =	shalt  }
0x51: {  	_ =	shalt  }
0x52: {  	_ =	shalt  }
0x53: {  	_ =	shalt  }
0x54: {  	_ =	shalt  }
0x55: {  	_ =	shalt  }
0x56: {  	_ =	shalt  }
0x57: {  	_ =	shalt  }
0x58: {  	_ =	shalt  }
0x59: {  	_ =	shalt  }
0x5a: {  	_ =	shalt  }
0x5b: {  	_ =	shalt  }
0x5c: {  	_ =	shalt  }
0x5d: {  	_ =	shalt  }
0x5e: {  	_ =	shalt  }
0x5f: {  	_ =	shalt  }
0x60: {  	_ =	shalt  }
0x61: {  	_ =	shalt  }
0x62: {  	_ =	shalt  }
0x63: {  	_ =	shalt  }
0x64: {  	_ =	shalt  }
0x65: {  	_ =	shalt  }
0x66: {  	_ =	shalt  }
0x67: {  	_ =	shalt  }
0x68: {  	_ =	shalt  }
0x69: {  	_ =	shalt  }
0x6a: {  	_ =	shalt  }
0x6b: {  	_ =	shalt  }
0x6c: {  	_ =	shalt  }
0x6d: {  	_ =	shalt  }
0x6e: {  	_ =	shalt  }
0x6f: {  	_ =	shalt  }
0x70: {  	_ =	shalt  }
0x71: {  	_ =	shalt  }
0x72: {  	_ =	shalt  }
0x73: {  	_ =	shalt  }
0x74: {  	_ =	shalt  }
0x75: {  	_ =	shalt  }
0x76: {  	_ =	shalt  }
0x77: {  	_ =	shalt  }
0x78: {  	_ =	shalt  }
0x79: {  	_ =	shalt  }
0x7a: {  	_ =	shalt  }
0x7b: {  	_ =	shalt  }
0x7c: {  	_ =	shalt  }
0x7d: {  	_ =	shalt  }
0x7e: {  	_ =	shalt  }
0x7f: {  	_ =	shalt  }
0x80: {  	_ =	shalt  }
0x81: {  	_ =	shalt  }
0x82: {  	_ =	shalt  }
0x83: {  	_ =	shalt  }
0x84: {  	_ =	shalt  }
0x85: {  	_ =	shalt  }
0x86: {  	_ =	shalt  }
0x87: {  	_ =	shalt  }
.Lfunc_end0:
.L_simem_size_0:
called_computation_lowered:
.L_overlay_start_0:
0x88: {  	s2 =	sld [smem:$0x3FD9]  }
0x89: {  	s3 =	sld [smem:$0x3FFE];
	_ =	sdelay $0x1  }
0x8a: {  	s1 =	srdreg.scid  }
0x8b: {  	s0 =	sand.u32 $0x1, s1  }
0x8c: {  	s17 =	sshll.u32 s0, $0xA;
	s2 =	sadd.s32 s3, s2  }
0x8d: {  	s2 =	sadd.s32 s2, s17  }
0x8e: {  	[smem:$0x3FC1] =	sst s2  }
0x8f: {  	_ = 	snop  }
0x90: {  	s2 =	sld [smem:$0x3FC7]  }
0x91: {  	s18 =	sld [smem:$0x3FD0];
	(tm) =	ssettm $0x1  }
0x92: {  	s4 =	sld [smem:$0x3FFB];
	_ =	sdelay $0x3  }
0x93: {  	_ =	strace s4  }
0x94: {  	s4 =	sld [smem:$0x3FFC];
	_ =	sdelay $0x3  }
0x95: {  	_ =	strace s4  }
0x96: {  	s4 =	sld [smem:$0x3FFD];
	_ =	sdelay $0x3  }
0x97: {  	_ =	strace s4  }
0x98: {  	_ =	strace $0x8FFFFFFF  }
0x99: {  	s19 =	sld [smem:$0x3FDB];
	_ =	sdelay $0x1  }
0x9a: {  	s5 =	simm.s32 $_scs_section_size  }
0x9b: {  	s6 =	simm.s32 $_size__tile_overlayer_lowered;
	s7 =	simm.s32 $_tile_overlayer_lowered  }
0x9c: {  	s22 =	simm.s32 $0x1BFF;
	s21 =	sshll.u32 s7, $0x1;
	s4 =	sadd.s32 s5, s19  }
0x9d: {  	s8 =	simm.s32 $0x0;
	s20 =	sshll.u32 s6, $0x1;
	s6 =	sadd.s32 s21, s4  }
0x9e: {  	[timem:s8], [sflag:s22] =	dma.local [hbm:s6], s20  }
0x9f: {  	_ =	swait.ge [sflag:s22], s20  }
0xa0: {  	s5 =	ssub.s32 $0x0, s20;
	[sflag:s22] =	ssyncset.done $0x0  }
0xa1: {  	[sflag:s22] =	ssyncadd.s32 s5;
	_ =	sdelay $0x1  }
0xa2: {  	s23 =	simm.s32 $0x1B8B  }
0xa3: {  	_ =	swait.ge [sflag:s23], $0x1  }
0xa4: {  	[sflag:s23] =	ssyncset.done $0x0  }
0xa5: {  	s25 =	simm.s32 $0x1B8E;
	s24 =	sld [smem:$0x3FFE];
	[sflag:s23] =	ssyncadd.s32 $0xFFFFFFFF  }
0xa6: {  	s26 =	simm.s32 $execute0_lowered;
	[smem:$0x3FD2] =	sst s25  }
0xa7: {  	s6 =	sshll.u32 s26, $0x1;
	_ =	strace $0x80000046;
	[dreg:$0x1] =	wrdreg $0xFFFFFFFF  }
0xa8: {  	s28 =	simm.s32 $_size_execute0_lowered;
	s4 =	sadd.s32 s4, s6;
	[dreg:$0x0] =	wrdreg $0x0  }
0xa9: {  	s6 =	sshll.u32 s28, $0x1;
	[dreg:$0x2] =	wrdreg s4  }
0xaa: {  	[dreg:$0x3] =	wrdreg s6  }
0xab: {  	[dreg:$0x4] =	wrdreg $0xC0  }
0xac: {  	_ =	task [dreg:s8], $0x5FFFF  }
0xad: {  	[dreg:$0x1] =	wrdreg $0xFFFFFFFF  }
0xae: {  	[dreg:$0x0] =	wrdreg $0x60  }
0xaf: {  	[dreg:$0x2] =	wrdreg s18  }
0xb0: {  	[dreg:$0x3] =	wrdreg s2  }
0xb1: {  	[dreg:$0x4] =	wrdreg s24  }
0xb2: {  	[dreg:$0x5] =	wrdreg $0x9  }
0xb3: {  	_ =	task.clear_ibuf [dreg:s8], $0x6FFFF;
	_ =	strace $0x90000046  }
0xb4: {  	s29 =	simm.s32 $0x9;
	_ =	strace $0x80000048  }
0xb5: {  	_ =	swait.ge [sflag:s29], $0x1  }
0xb6: {  	[sflag:s29] =	ssyncadd.s32 $0xFFFFFFFF  }
0xb7: {  	_ =	strace $0x90000048  }
0xb8: {  	_ =	sfence  }
0xb9: {  	s30 =	sld [smem:$0x0];
	_ =	sdelay $0x2  }
0xba: {  	s31 =	sshll.u32 s1, $0xD;
	s1 =	sshrl.u32 s1, $0x2  }
0xbb: {  	s3 =	sand.u32 $0x4000, s31;
	s1 =	sadd.s32 s1, s30  }
0xbc: {  	s0 =	sor.u32 s3, s0;
	s1 =	sshll.u32 s1, $0x11  }
0xbd: {  	s0 =	sor.u32 s1, s0  }
0xbe: {  	s0 =	sadd.s32 $0x8F2B, s0  }
0xbf: {  	[sflag:s0] =	ssyncadd.remote.s32 $0x1  }
0xc0: {  	_ =	sfence.sel $0xFFFF  }
0xc1: {  	[dreg:$0x0] =	wrdreg $0xFFFFFFFF;
	(pc) =	sbr.abs _section_cstart, $3  }
0xc2: {  	[dreg:$0x1] =	wrdreg $0xFFFFFFFF  }
0xc3: {  	_ =	task.clear_ibuf [dreg:s8], $0x2FFFF;
	_ =	strace $0x9FFFFFFF  }
0xc4: {  	(tm) =	ssettm $0x7FFFFFFF  }
0xc5: {  	_ =	shalt  }
tec
execute0_lowered:
.L_overlay_start_1:
0x0: {  	(tag) =	ssettag $0x1  }
0x1: {  	s0 =	rddreg [dreg:$0x0]  }
0x2: {  	s1 =	rddreg [dreg:$0x1]  }
0x3: {  	s2 =	rddreg [dreg:$0x2]  }
0x4: {  	s3 =	simm.s32 $0x0;
	s4 =	srdreg.scid;
	s7 =	stileid.u32  }
0x5: {  	s10 =	simm.s32 $0x3;
	s11 =	simm.s32 $0x100;
	s28 =	simm.s32 $0x8100  }
0x6: {  	s29 =	simm.s32 $0x8900;
	s30 =	simm.s32 $0x9100;
	s31 =	simm.s32 $0x9900  }
0x7: {  	s12 =	simm.s32 $0xB100;
	s13 =	simm.s32 $0xB900;
	s14 =	simm.s32 $0xC100  }
0x8: {  	s15 =	simm.s32 $0xC900;
	s16 =	simm.s32 $0xD100;
	s17 =	simm.s32 $0xD900  }
0x9: {  	s18 =	simm.s32 $0xE100;
	s19 =	simm.s32 $0xE900;
	s20 =	simm.s32 $0xF100  }
0xa: {  	s21 =	simm.s32 $0xF900;
	s22 =	simm.s32 $0x1;
	s23 =	simm.s32 $0x2  }
0xb: {  	[smem:$0x7FF] =	sst s3;
	s4 =	sand.u32 $0x1, s4;
	s5 =	sshll.u32 s7, $0x9  }
0xc: {  	s7 =	sshll.u32 s7, $0x10;
	_ =	strace $0x80000047;
	s6 =	sshll.u32 s4, $0x8  }
0xd: {  	s8 =	ssub.s32 $0x2, s4;
	s2 =	sadd.s32 s7, s2;
	s25 =	sshll.u32 s4, $0xF  }
0xe: {  	s7 =	sadd.s32 $0x300, s1;
	s5 =	sor.u32 s6, s5;
	s24 =	sshrl.u32 s8, $0x1  }
.Ltmp0:
0xf: {  	s6 =	sadd.s32 $0x200, s1;
	s5 =	sshrl.u32 s5, $0x3;
	(pc) =	sbr.rel .LBB2_1-.Ltmp0, $4  }
0x10: {  	s8 =	ssub.s32 s8, s24;
	s24 =	simm.s32 $0x0;
	s0 =	sadd.s32 s0, s5  }
0x11: {  	v2 =	vlaneseq.u32;
	s26 =	smax.u32 s8, $0x1;
	[dreg:$0x4] =	wrdreg s0;
	s0 =	sadd.s32 s25, s2  }
0x12: {  	vm0 =	vmmov $0xffff;
	v1 =	vshrl.u32 v2, $0x3;
	s5 =	sadd.s32 $0x100, s1;
	[dreg:$0x5] =	wrdreg s26;
	s0 =	sadd.s32 $0xE00, s0  }
0x13: {  	v0 =	vand.u32 $0x7, v2;
	v2 =	vor.u32 $0x8, v2;
	v1 =	vmul.u32 $0x8, v1;
	s2 =	simm.s32 $0xA900;
	[dreg:$0x6] =	wrdreg s0;
	s0 =	simm.s32 $0xA100  }
.LBB2_6:
0x14: {  	s24 =	sadd.s32 $0x1, s24;
	s4 =	rddreg [dreg:$0x5]  }
0x15: {  	p0 =	sne.s32 s24, s4  }
.Ltmp1:
0x16: {  	_ = 	snop;
	(pc) =	sbr.rel @!p0 .LBB2_7-.Ltmp1, $1  }
0x17: {  	_ =	sdelay $0x3  }
.LBB2_1:
0x18: {  	s4 =	rddreg [dreg:$0x4]  }
0x19: {  	[tilespmem:s3], [sflag:$0x3] =	stream.linear.gather [hbm4b:s4+s3], $0x100, $0x38;
	[tilespmem:$0x10100] =	vst v63  }
0x1a: {  	_ =	swait.ge [sflag:s10], $0x100  }
0x1b: {  	[sflag:s10] =	ssyncset.done $0x0  }
0x1c: {  	[sflag:s10] =	ssyncadd.s32 $0xFFFFFF00  }
0x1d: {  	v3 =	vld [tilespmem:$0x0];
	_ =	sdelay $0x4  }
0x1e: {  	v4 =	vshll.u32 v3, $0x3  }
0x1f: {  	v3 =	vand.u32 $0x7, v3;
	v4 =	vand.u32 $0xFFFFFFC0, v4  }
0x20: {  	v3 =	vor.u32 v3, v4  }
0x21: {  	v4 =	vperm.xlane v3, v0;
	_ =	sdelay $0x1  }
0x22: {  	v4 =	vadd.s32 v1, v4;
	_ =	sdelay $0x4  }
0x23: {  	[tilespmem:s11], [sflag:$0x1] =	stream.indirect_vreg.gather [hbm4b:s1+s3], $0x80, v4, vm0, $0xb8;
	[tilespmem:$0x10100] =	vst v63  }
0x24: {  	s9 =	simm.s32 $0x900;
	v3 =	vperm.xlane v3, v2  }
0x25: {  	[tilespmem:s9], [sflag:$0x1] =	stream.indirect_vreg.gather [hbm4b:s5+s3], $0x80, v4, vm0, $0xb8;
	[tilespmem:$0x10100] =	vst v63  }
0x26: {  	s25 =	simm.s32 $0x1100;
	v3 =	vadd.s32 v1, v3  }
0x27: {  	[tilespmem:s25], [sflag:$0x1] =	stream.indirect_vreg.gather [hbm4b:s6+s3], $0x80, v4, vm0, $0xb8;
	[tilespmem:$0x10100] =	vst v63  }
0x28: {  	s26 =	simm.s32 $0x1900  }
0x29: {  	[tilespmem:s26], [sflag:$0x1] =	stream.indirect_vreg.gather [hbm4b:s7+s3], $0x80, v4, vm0, $0xb8;
	[tilespmem:$0x10100] =	vst v63  }
0x2a: {  	s8 =	simm.s32 $0x2100  }
0x2b: {  	[tilespmem:s8], [sflag:$0x1] =	stream.indirect_vreg.gather [hbm4b:s1+s3], $0x80, v3, vm0, $0xb8;
	[tilespmem:$0x10100] =	vst v63  }
0x2c: {  	s9 =	simm.s32 $0x2900  }
0x2d: {  	[tilespmem:s9], [sflag:$0x1] =	stream.indirect_vreg.gather [hbm4b:s5+s3], $0x80, v3, vm0, $0xb8;
	[tilespmem:$0x10100] =	vst v63  }
0x2e: {  	s25 =	simm.s32 $0x3100  }
0x2f: {  	[tilespmem:s25], [sflag:$0x1] =	stream.indirect_vreg.gather [hbm4b:s6+s3], $0x80, v3, vm0, $0xb8;
	[tilespmem:$0x10100] =	vst v63  }
0x30: {  	s26 =	simm.s32 $0x3900  }
0x31: {  	[tilespmem:s26], [sflag:$0x1] =	stream.indirect_vreg.gather [hbm4b:s7+s3], $0x80, v3, vm0, $0xb8;
	[tilespmem:$0x10100] =	vst v63  }
0x32: {  	v3 =	vld [tilespmem:$0x10];
	_ =	sdelay $0x4  }
0x33: {  	v63 =	vshll.u32 v3, $0x3  }
0x34: {  	v3 =	vand.u32 $0x7, v3;
	v4 =	vand.u32 $0xFFFFFFC0, v63  }
0x35: {  	v3 =	vor.u32 v3, v4  }
0x36: {  	v4 =	vperm.xlane v3, v0;
	_ =	sdelay $0x1  }
0x37: {  	v4 =	vadd.s32 v1, v4;
	_ =	sdelay $0x3  }
0x38: {  	s8 =	simm.s32 $0x4100  }
0x39: {  	[tilespmem:s8], [sflag:$0x1] =	stream.indirect_vreg.gather [hbm4b:s1+s3], $0x80, v4, vm0, $0xb8;
	[tilespmem:$0x10100] =	vst v63  }
0x3a: {  	s9 =	simm.s32 $0x4900;
	v3 =	vperm.xlane v3, v2  }
0x3b: {  	[tilespmem:s9], [sflag:$0x1] =	stream.indirect_vreg.gather [hbm4b:s5+s3], $0x80, v4, vm0, $0xb8;
	[tilespmem:$0x10100] =	vst v63  }
0x3c: {  	s25 =	simm.s32 $0x5100;
	v3 =	vadd.s32 v1, v3  }
0x3d: {  	[tilespmem:s25], [sflag:$0x1] =	stream.indirect_vreg.gather [hbm4b:s6+s3], $0x80, v4, vm0, $0xb8;
	[tilespmem:$0x10100] =	vst v63  }
0x3e: {  	s26 =	simm.s32 $0x5900  }
0x3f: {  	[tilespmem:s26], [sflag:$0x1] =	stream.indirect_vreg.gather [hbm4b:s7+s3], $0x80, v4, vm0, $0xb8;
	[tilespmem:$0x10100] =	vst v63  }
0x40: {  	s8 =	simm.s32 $0x6100  }
0x41: {  	[tilespmem:s8], [sflag:$0x1] =	stream.indirect_vreg.gather [hbm4b:s1+s3], $0x80, v3, vm0, $0xb8;
	[tilespmem:$0x10100] =	vst v63  }
0x42: {  	s9 =	simm.s32 $0x6900  }
0x43: {  	[tilespmem:s9], [sflag:$0x1] =	stream.indirect_vreg.gather [hbm4b:s5+s3], $0x80, v3, vm0, $0xb8;
	[tilespmem:$0x10100] =	vst v63  }
.Ltmp2:
0x44: {  	_ = 	snop;
	(pc) =	sbr.rel .LBB2_2-.Ltmp2, $4  }
0x45: {  	s4 =	simm.s32 $0x0;
	s25 =	simm.s32 $0x7100  }
0x46: {  	[tilespmem:s25], [sflag:$0x1] =	stream.indirect_vreg.gather [hbm4b:s6+s3], $0x80, v3, vm0, $0xb8;
	[tilespmem:$0x10100] =	vst v63  }
0x47: {  	s26 =	simm.s32 $0x7900;
	s9 =	rddreg [dreg:$0x6];
	s25 =	simm.s32 $0x30  }
0x48: {  	[tilespmem:s26], [sflag:$0x1] =	stream.indirect_vreg.gather [hbm4b:s7+s3], $0x80, v3, vm0, $0xb8;
	[tilespmem:$0x10100] =	vst v63  }
.LBB2_4:
0x49: {  	p0 =	seq.s32 s4, $0x7  }
0x4a: {  	v3 =	vld @!p0 [tilespmem:s25+$0xFFFFFFF0];
	_ =	sdelay $0x4  }
0x4b: {  	v4 =	vshll.u32 @!p0 v3, $0x3  }
0x4c: {  	v5 =	vlaneseq.u32 @!p0;
	v3 =	vand.u32 @!p0 $0x7, v3;
	v4 =	vand.u32 @!p0 $0xFFFFFFC0, v4  }
0x4d: {  	v6 =	vshrl.u32 @!p0 v5, $0x3;
	v3 =	vor.u32 @!p0 v3, v4;
	v4 =	vand.u32 @!p0 $0x7, v5  }
0x4e: {  	v6 =	vmul.u32 @!p0 $0x8, v6;
	v7 =	vperm.xlane @!p0 v3, v4;
	_ =	sdelay $0x1  }
0x4f: {  	v7 =	vadd.s32 @!p0 v6, v7;
	_ =	sdelay $0x3  }
0x50: {  	vm1 =	vmmov @!p0 $0xffff;
	s8 =	simm.s32 @!p0 $0x0;
	s26 =	simm.s32 @!p0 $0x100  }
0x51: {  	v5 =	vor.u32 @!p0 $0x8, v5;
	[tilespmem:s26], [sflag:$0x1] =	stream.indirect_vreg.gather @!p0 [hbm4b:s1+s8], $0x80, v7, vm1, $0xb8;
	[tilespmem:$0x10100] =	vst v63  }
0x52: {  	v3 =	vperm.xlane @!p0 v3, v5;
	s26 =	simm.s32 @!p0 $0x900  }
0x53: {  	[tilespmem:s26], [sflag:$0x1] =	stream.indirect_vreg.gather @!p0 [hbm4b:s5+s8], $0x80, v7, vm1, $0xb8;
	[tilespmem:$0x10100] =	vst v63  }
0x54: {  	v3 =	vadd.s32 @!p0 v6, v3;
	s26 =	simm.s32 @!p0 $0x1100  }
0x55: {  	[tilespmem:s26], [sflag:$0x1] =	stream.indirect_vreg.gather @!p0 [hbm4b:s6+s8], $0x80, v7, vm1, $0xb8;
	[tilespmem:$0x10100] =	vst v63  }
0x56: {  	s26 =	simm.s32 @!p0 $0x1900  }
0x57: {  	[tilespmem:s26], [sflag:$0x1] =	stream.indirect_vreg.gather @!p0 [hbm4b:s7+s8], $0x80, v7, vm1, $0xb8;
	[tilespmem:$0x10100] =	vst v63  }
0x58: {  	s26 =	simm.s32 @!p0 $0x2100  }
0x59: {  	[tilespmem:s26], [sflag:$0x1] =	stream.indirect_vreg.gather @!p0 [hbm4b:s1+s8], $0x80, v3, vm1, $0xb8;
	[tilespmem:$0x10100] =	vst v63  }
0x5a: {  	s26 =	simm.s32 @!p0 $0x2900  }
0x5b: {  	[tilespmem:s26], [sflag:$0x1] =	stream.indirect_vreg.gather @!p0 [hbm4b:s5+s8], $0x80, v3, vm1, $0xb8;
	[tilespmem:$0x10100] =	vst v63  }
0x5c: {  	s26 =	simm.s32 @!p0 $0x3100  }
0x5d: {  	[tilespmem:s26], [sflag:$0x1] =	stream.indirect_vreg.gather @!p0 [hbm4b:s6+s8], $0x80, v3, vm1, $0xb8;
	[tilespmem:$0x10100] =	vst v63  }
0x5e: {  	s26 =	simm.s32 @!p0 $0x3900  }
0x5f: {  	[tilespmem:s26], [sflag:$0x1] =	stream.indirect_vreg.gather @!p0 [hbm4b:s7+s8], $0x80, v3, vm1, $0xb8;
	[tilespmem:$0x10100] =	vst v63  }
0x60: {  	v3 =	vld @!p0 [tilespmem:s25+$0x0];
	_ =	sdelay $0x4  }
0x61: {  	v7 =	vshll.u32 @!p0 v3, $0x3  }
0x62: {  	v3 =	vand.u32 @!p0 $0x7, v3;
	v7 =	vand.u32 @!p0 $0xFFFFFFC0, v7  }
0x63: {  	v3 =	vor.u32 @!p0 v3, v7  }
0x64: {  	v4 =	vperm.xlane @!p0 v3, v4;
	_ =	sdelay $0x1  }
0x65: {  	v4 =	vadd.s32 @!p0 v6, v4;
	_ =	sdelay $0x3  }
0x66: {  	s26 =	simm.s32 @!p0 $0x4100  }
0x67: {  	[tilespmem:s26], [sflag:$0x1] =	stream.indirect_vreg.gather @!p0 [hbm4b:s1+s8], $0x80, v4, vm1, $0xb8;
	[tilespmem:$0x10100] =	vst v63  }
0x68: {  	v3 =	vperm.xlane @!p0 v3, v5;
	s26 =	simm.s32 @!p0 $0x4900  }
0x69: {  	[tilespmem:s26], [sflag:$0x1] =	stream.indirect_vreg.gather @!p0 [hbm4b:s5+s8], $0x80, v4, vm1, $0xb8;
	[tilespmem:$0x10100] =	vst v63  }
0x6a: {  	v3 =	vadd.s32 @!p0 v6, v3;
	s26 =	simm.s32 @!p0 $0x5100  }
0x6b: {  	[tilespmem:s26], [sflag:$0x1] =	stream.indirect_vreg.gather @!p0 [hbm4b:s6+s8], $0x80, v4, vm1, $0xb8;
	[tilespmem:$0x10100] =	vst v63  }
0x6c: {  	s26 =	simm.s32 @!p0 $0x5900  }
0x6d: {  	[tilespmem:s26], [sflag:$0x1] =	stream.indirect_vreg.gather @!p0 [hbm4b:s7+s8], $0x80, v4, vm1, $0xb8;
	[tilespmem:$0x10100] =	vst v63  }
0x6e: {  	s26 =	simm.s32 @!p0 $0x6100  }
0x6f: {  	[tilespmem:s26], [sflag:$0x1] =	stream.indirect_vreg.gather @!p0 [hbm4b:s1+s8], $0x80, v3, vm1, $0xb8;
	[tilespmem:$0x10100] =	vst v63  }
0x70: {  	s26 =	simm.s32 @!p0 $0x6900  }
0x71: {  	[tilespmem:s26], [sflag:$0x1] =	stream.indirect_vreg.gather @!p0 [hbm4b:s5+s8], $0x80, v3, vm1, $0xb8;
	[tilespmem:$0x10100] =	vst v63  }
0x72: {  	s26 =	simm.s32 @!p0 $0x7100  }
0x73: {  	[tilespmem:s26], [sflag:$0x1] =	stream.indirect_vreg.gather @!p0 [hbm4b:s6+s8], $0x80, v3, vm1, $0xb8;
	[tilespmem:$0x10100] =	vst v63  }
0x74: {  	s26 =	simm.s32 @!p0 $0x7900  }
0x75: {  	[tilespmem:s26], [sflag:$0x1] =	stream.indirect_vreg.gather @!p0 [hbm4b:s7+s8], $0x80, v3, vm1, $0xb8;
	[tilespmem:$0x10100] =	vst v63  }
0x76: {  	_ =	swait.ge [sflag:s23], $0x8000  }
0x77: {  	[sflag:s23] =	ssyncset.done $0x0  }
0x78: {  	s8 =	simm.s32 $0x3;
	[sflag:s23] =	ssyncadd.s32 $0xFFFF8000  }
0x79: {  	[hbm4b:s9+s3] =	stream.linear.scatter [tilespmem:s28], [sflag:$0x3], $0x8000, $0x38;
	[tilespmem:$0x10100] =	vst v63  }
.LBB2_5:
0x7a: {  	s4 =	sadd.s32 $0x1, s4  }
0x7b: {  	p0 =	sne.s32 s4, $0x8  }
.Ltmp3:
0x7c: {  	_ = 	snop;
	(pc) =	sbr.rel @!p0 .LBB2_6-.Ltmp3, $4  }
0x7d: {  	_ = 	snop  }
0x7e: {  	_ =	swait.ge [sflag:s8], $0x8000  }
0x7f: {  	[sflag:s8] =	ssyncset.done $0x0  }
0x80: {  	s25 =	sadd.s32 $0x20, s25;
	s9 =	sadd.s32 $0x1000, s9;
	[sflag:s8] =	ssyncadd.s32 $0xFFFF8000  }
.LBB2_2:
0x81: {  	s8 =	sand.u32 $0x1, s4  }
0x82: {  	p0 =	seq.s32 s8, $0x1  }
.Ltmp4:
0x83: {  	_ = 	snop;
	(pc) =	sbr.rel @p0 .LBB2_4-.Ltmp4, $1  }
0x84: {  	_ =	sdelay $0x3  }
0x85: {  	v3 =	vld [tilespmem:s25+$0xFFFFFFF0];
	_ =	sdelay $0x4  }
0x86: {  	v4 =	vshll.u32 v3, $0x3  }
0x87: {  	v3 =	vand.u32 $0x7, v3;
	v4 =	vand.u32 $0xFFFFFFC0, v4  }
0x88: {  	v3 =	vor.u32 v3, v4  }
0x89: {  	v4 =	vperm.xlane v3, v0;
	_ =	sdelay $0x1  }
0x8a: {  	v4 =	vadd.s32 v1, v4;
	_ =	sdelay $0x4  }
0x8b: {  	[tilespmem:s28], [sflag:$0x2] =	stream.indirect_vreg.gather [hbm4b:s1+s3], $0x80, v4, vm0, $0xb8;
	[tilespmem:$0x10100] =	vst v63  }
0x8c: {  	v3 =	vperm.xlane v3, v2  }
0x8d: {  	[tilespmem:s29], [sflag:$0x2] =	stream.indirect_vreg.gather [hbm4b:s5+s3], $0x80, v4, vm0, $0xb8;
	[tilespmem:$0x10100] =	vst v63  }
0x8e: {  	v3 =	vadd.s32 v1, v3  }
0x8f: {  	[tilespmem:s30], [sflag:$0x2] =	stream.indirect_vreg.gather [hbm4b:s6+s3], $0x80, v4, vm0, $0xb8;
	[tilespmem:$0x10100] =	vst v63  }
0x90: {  	_ = 	snop  }
0x91: {  	[tilespmem:s31], [sflag:$0x2] =	stream.indirect_vreg.gather [hbm4b:s7+s3], $0x80, v4, vm0, $0xb8;
	[tilespmem:$0x10100] =	vst v63  }
0x92: {  	_ = 	snop  }
0x93: {  	[tilespmem:s0], [sflag:$0x2] =	stream.indirect_vreg.gather [hbm4b:s1+s3], $0x80, v3, vm0, $0xb8;
	[tilespmem:$0x10100] =	vst v63  }
0x94: {  	_ = 	snop  }
0x95: {  	[tilespmem:s2], [sflag:$0x2] =	stream.indirect_vreg.gather [hbm4b:s5+s3], $0x80, v3, vm0, $0xb8;
	[tilespmem:$0x10100] =	vst v63  }
0x96: {  	_ = 	snop  }
0x97: {  	[tilespmem:s12], [sflag:$0x2] =	stream.indirect_vreg.gather [hbm4b:s6+s3], $0x80, v3, vm0, $0xb8;
	[tilespmem:$0x10100] =	vst v63  }
0x98: {  	_ = 	snop  }
0x99: {  	[tilespmem:s13], [sflag:$0x2] =	stream.indirect_vreg.gather [hbm4b:s7+s3], $0x80, v3, vm0, $0xb8;
	[tilespmem:$0x10100] =	vst v63  }
0x9a: {  	v3 =	vld [tilespmem:s25+$0x0];
	_ =	sdelay $0x4  }
0x9b: {  	v63 =	vshll.u32 v3, $0x3  }
0x9c: {  	v3 =	vand.u32 $0x7, v3;
	v4 =	vand.u32 $0xFFFFFFC0, v63  }
0x9d: {  	v3 =	vor.u32 v3, v4  }
0x9e: {  	v4 =	vperm.xlane v3, v0;
	_ =	sdelay $0x1  }
0x9f: {  	v4 =	vadd.s32 v1, v4;
	_ =	sdelay $0x4  }
0xa0: {  	[tilespmem:s14], [sflag:$0x2] =	stream.indirect_vreg.gather [hbm4b:s1+s3], $0x80, v4, vm0, $0xb8;
	[tilespmem:$0x10100] =	vst v63  }
0xa1: {  	v3 =	vperm.xlane v3, v2  }
0xa2: {  	[tilespmem:s15], [sflag:$0x2] =	stream.indirect_vreg.gather [hbm4b:s5+s3], $0x80, v4, vm0, $0xb8;
	[tilespmem:$0x10100] =	vst v63  }
0xa3: {  	v3 =	vadd.s32 v1, v3  }
0xa4: {  	[tilespmem:s16], [sflag:$0x2] =	stream.indirect_vreg.gather [hbm4b:s6+s3], $0x80, v4, vm0, $0xb8;
	[tilespmem:$0x10100] =	vst v63  }
0xa5: {  	_ = 	snop  }
0xa6: {  	[tilespmem:s17], [sflag:$0x2] =	stream.indirect_vreg.gather [hbm4b:s7+s3], $0x80, v4, vm0, $0xb8;
	[tilespmem:$0x10100] =	vst v63  }
0xa7: {  	_ = 	snop  }
0xa8: {  	[tilespmem:s18], [sflag:$0x2] =	stream.indirect_vreg.gather [hbm4b:s1+s3], $0x80, v3, vm0, $0xb8;
	[tilespmem:$0x10100] =	vst v63  }
0xa9: {  	_ = 	snop  }
0xaa: {  	[tilespmem:s19], [sflag:$0x2] =	stream.indirect_vreg.gather [hbm4b:s5+s3], $0x80, v3, vm0, $0xb8;
	[tilespmem:$0x10100] =	vst v63  }
0xab: {  	_ = 	snop  }
0xac: {  	[tilespmem:s20], [sflag:$0x2] =	stream.indirect_vreg.gather [hbm4b:s6+s3], $0x80, v3, vm0, $0xb8;
	[tilespmem:$0x10100] =	vst v63  }
0xad: {  	_ = 	snop  }
0xae: {  	[tilespmem:s21], [sflag:$0x2] =	stream.indirect_vreg.gather [hbm4b:s7+s3], $0x80, v3, vm0, $0xb8;
	[tilespmem:$0x10100] =	vst v63  }
.Ltmp5:
0xaf: {  	_ = 	snop;
	(pc) =	sbr.rel .LBB2_5-.Ltmp5, $4  }
0xb0: {  	_ =	swait.ge [sflag:s22], $0x8000  }
0xb1: {  	[sflag:s22] =	ssyncset.done $0x0  }
0xb2: {  	s8 =	simm.s32 $0x4;
	[sflag:s22] =	ssyncadd.s32 $0xFFFF8000  }
0xb3: {  	[hbm4b:s9+s3] =	stream.linear.scatter [tilespmem:s11], [sflag:$0x4], $0x8000, $0x38;
	[tilespmem:$0x10100] =	vst v63  }
.LBB2_7:
0xb4: {  	_ =	sfence.sel $0x180000  }
0xb5: {  	[bflag:$0x0] =	sbarrier.arrive $0xFFFF  }
0xb6: {  	_ =	strace $0x90000047  }
0xb7: {  	s0 =	stileid.u32;
	[bflag:$0x2] =	sbarrier.arrive $0xFFFF  }
0xb8: {  	p0 =	sne.s32 s0, $0x0;
	s0 =	rddreg [dreg:$0x3]  }
0xb9: {  	s0 =	sadd.s32 @!p0 $0x100000, s0  }
0xba: {  	[sflag:s0] =	ssyncadd.tile.s32 @!p0 $0x1;
	_ =	shalt  }
.Lfunc_end2:
_tile_overlayer_lowered:
.L_overlay_start_2:
0xbb: {  	(tag) =	ssettag $0x2  }
0xbc: {  	s0 =	rddreg [dreg:$0x0];
	s2 =	stileid.u32  }
0xbd: {  	s1 =	rddreg [dreg:$0x1];
	p0 =	sne.s32 s2, $0x0  }
0xbe: {  	s3 =	rddreg [dreg:$0x2];
	[bflag:$0x3] =	sbarrier.arrive $0xFFFF;
	s2 =	simm.s32 @!p0 $0x1C03  }
0xbf: {  	[timem:s3], [sflag:s2] =	dma.local @!p0 [hbm:s0], s1  }
0xc0: {  	s0 =	simm.s32 @!p0 $0x3  }
0xc1: {  	_ =	swait.ge @!p0 [sflag:s0], s1  }
0xc2: {  	s1 =	ssub.s32 @!p0 $0x0, s1;
	[sflag:s0] =	ssyncset.done @!p0 $0x0  }
0xc3: {  	[sflag:s0] =	ssyncadd.s32 @!p0 s1  }
0xc4: {  	[bflag:$0x3] =	sbarrier.arrive $0xFFFF  }
0xc5: {  	_ =	shalt  }

</sc_bundles>
